<compile_context>
chip_gen: v7x
topology: tpu7x:2x2x1
jax: 0.10.2.dev20260603
libtpu: 0.0.44.dev20260713+nightly
codegen_flags: <defaults>
</compile_context>

<pallas_src>
import functools

import jax
import jax.numpy as jnp
from jax import lax
from jax.experimental import pallas as pl
from jax.experimental.pallas import tpu as pltpu
from jax.experimental.pallas import tpu_sc as plsc

_D = 1000
_DP = 1024
_NC = 2
_NS = 16
_NW = _NC * _NS
_TP = 56


@functools.lru_cache(maxsize=None)
def _build(nb, t):
  b_per_w = nb // _NW
  assert b_per_w * _NW == nb

  mesh = plsc.VectorSubcoreMesh(
      core_axis_name="c", subcore_axis_name="s",
      num_cores=_NC, num_subcores=_NS)

  @functools.partial(
      pl.kernel,
      out_type=jax.ShapeDtypeStruct((nb, t, 8, 128), jnp.float32),
      mesh=mesh,
      scratch_types=[
          pltpu.VMEM((b_per_w * _TP,), jnp.int32),
          pltpu.VMEM((t, 8, 128), jnp.float32),
          pltpu.VMEM((t, 8, 128), jnp.float32),
          pltpu.SemaphoreType.DMA,
          pltpu.SemaphoreType.DMA,
          pltpu.SemaphoreType.DMA,
          pltpu.SemaphoreType.DMA,
      ],
  )
  def emb(idx_hbm, table_hbm, out_hbm,
          idx_v, buf0, buf1, gs0, gs1, ss0, ss1):
    wid = lax.axis_index("s") * _NC + lax.axis_index("c")
    b0 = wid * b_per_w
    pltpu.sync_copy(idx_hbm.at[pl.ds(b0 * _TP, b_per_w * _TP)], idx_v)

    bufs = ((buf0, gs0, ss0), (buf1, gs1, ss1))

    def gather(c, buf, gsem):
      return pltpu.make_async_copy(
          table_hbm.at[idx_v.at[pl.ds(c * _TP, t)]], buf, gsem)

    def scatter(c, buf, ssem):
      return pltpu.make_async_copy(buf, out_hbm.at[b0 + c], ssem)

    gather(0, buf0, gs0).start()

    @pl.loop(0, b_per_w, step=2)
    def _pair(j):
      for p in range(2):
        buf, gsem, ssem = bufs[p]
        c = j + p
        nxt = c + 1

        gather(c, buf, gsem).wait()
        scatter(c, buf, ssem).start()

        @pl.when(nxt < b_per_w)
        def _start_next():
          obuf, ogsem, ossem = bufs[1 - p]

          @pl.when(nxt >= 2)
          def _wait_prev_scatter():
            scatter(nxt - 2, obuf, ossem).wait()
          gather(nxt, obuf, ogsem).start()

    scatter(b_per_w - 2, buf0, ss0).wait()
    scatter(b_per_w - 1, buf1, ss1).wait()

  return emb


@jax.jit
def kernel(idx, table):
  b, t = idx.shape
  idx_p = jnp.pad(idx.astype(jnp.int32), ((0, 0), (0, _TP - t))).reshape(-1)
  table_t = jnp.pad(table, ((0, 0), (0, _DP - _D))).reshape(-1, 8, 128)
  out4 = _build(b, t)(idx_p, table_t)
  return out4.reshape(b, t, _DP)[..., :_D]

# --- scband reference (transcript-rebuilt; emitter-appended) ---
"""Pipeline reference for scband-model-2250562863357 (READ-ONLY COPY).

The authoritative reference and input builder live on the scoring server;
editing this copy changes nothing except your own understanding.
"""

import jax, jax.numpy as jnp
import numpy as np

VOCAB = 1000
B, T = 1024, 50

def setup_inputs(seed: int = 0) -> dict:
    key = jax.random.key(seed)
    k1, k2 = jax.random.split(key)
    idx = jax.random.randint(k1, (B, T), 0, VOCAB, dtype=jnp.int64) if jax.config.jax_enable_x64 else jax.random.randint(k1, (B, T), 0, VOCAB, dtype=jnp.int32)
    table = jax.random.normal(k2, (VOCAB, VOCAB), dtype=jnp.float32) * 0.02
    return {"idx": idx, "table": table}

def reference(idx, table):
    # Model.forward with target=None: logits = Embedding(vocab, vocab)(idx); loss = None
    logits = jnp.take(table, idx, axis=0)  # [B, T, VOCAB]
    return logits

if __name__ == "__main__":
    import jax
    _d = setup_inputs()
    print(jax.jit(kernel)(*tuple(_d.values())))

</pallas_src>

<mosaic_0001>
#map = affine_map<(d0, d1) -> (0)>
#map1 = affine_map<(d0, d1) -> (0, 0, 0)>
#map2 = affine_map<(d0, d1) -> (0, 0, 0, 0)>
module attributes {stable_mosaic.version = 14 : i64} {
  func.func @emb(%arg0: i32, %arg1: i32, %arg2: memref<57344xi32, #tpu.memory_space<hbm>>, %arg3: memref<1000x8x128xf32, #tpu.memory_space<hbm>>, %arg4: memref<1024x50x8x128xf32, #tpu.memory_space<hbm>>, %arg5: memref<1792xi32, #tpu.memory_space<vmem>>, %arg6: memref<50x8x128xf32, #tpu.memory_space<vmem>>, %arg7: memref<50x8x128xf32, #tpu.memory_space<vmem>>, %arg8: memref<!tpu.dma_semaphore, #tpu.memory_space<semaphore_mem>>, %arg9: memref<!tpu.dma_semaphore, #tpu.memory_space<semaphore_mem>>, %arg10: memref<!tpu.dma_semaphore, #tpu.memory_space<semaphore_mem>>, %arg11: memref<!tpu.dma_semaphore, #tpu.memory_space<semaphore_mem>>) attributes {dimension_semantics = [#tpu.dimension_semantics<core_parallel>, #tpu.dimension_semantics<subcore_parallel>], iteration_bounds = array<i64: 2, 16>, scalar_prefetch = 0 : i64, scratch_operands = 7 : i64, tpu.core_type = #tpu.core_type<sc_vector_subcore>, window_params = [{transform_indices = #map}, {transform_indices = #map1}, {transform_indices = #map2}]} {
    %mul3A = arith.constant 2 : i32
    %mul3A_0 = arith.muli %arg1, %mul3A : i32
    %add3A = arith.addi %mul3A_0, %arg0 : i32
    %mul3A_1 = arith.constant 32 : i32
    %mul3A_2 = arith.muli %add3A, %mul3A_1 : i32
    %mul3A_3 = arith.constant 56 : i32
    %mul3A_4 = arith.muli %mul3A_2, %mul3A_3 : i32
    "tpu.region"() ({
      %run_scoped3A = tpu.sem_alloc : memref<!tpu.dma_semaphore, #tpu.memory_space<semaphore_mem>>
      %dma_start3A_37 = tpu.memref_slice %arg2[%mul3A_4] : memref<57344xi32, #tpu.memory_space<hbm>> -> memref<1792xi32, #tpu.memory_space<hbm>>
      %dma_start3A_38 = tpu.memref_slice %arg2[%mul3A_4] : memref<57344xi32, #tpu.memory_space<hbm>> -> memref<1792xi32, #tpu.memory_space<hbm>>
      tpu.enqueue_dma source(%dma_start3A_38 : memref<1792xi32, #tpu.memory_space<hbm>>) target(%arg5 : memref<1792xi32, #tpu.memory_space<vmem>>) target_semaphore(%run_scoped3A : memref<!tpu.dma_semaphore, #tpu.memory_space<semaphore_mem>>)
      %dma_wait3A_39 = tpu.memref_slice %arg2[%mul3A_4] : memref<57344xi32, #tpu.memory_space<hbm>> -> memref<1792xi32, #tpu.memory_space<hbm>>
      %dma_wait3A_40 = tpu.memref_slice %arg2[%mul3A_4] : memref<57344xi32, #tpu.memory_space<hbm>> -> memref<1792xi32, #tpu.memory_space<hbm>>
      tpu.wait_dma2 semaphore(%run_scoped3A : memref<!tpu.dma_semaphore, #tpu.memory_space<semaphore_mem>>) src(%dma_wait3A_40 : memref<1792xi32, #tpu.memory_space<hbm>>) dst(%arg5 : memref<1792xi32, #tpu.memory_space<vmem>>)
      tpu.yield
    }) : () -> ()
    %dma_start3A = arith.constant 0 : i32
    %dma_start3A_5 = tpu.memref_slice %arg5[%dma_start3A] : memref<1792xi32, #tpu.memory_space<vmem>> -> memref<50xi32, #tpu.memory_space<vmem>>
    %dma_start3A_6 = arith.constant 0 : i32
    %dma_start3A_7 = arith.constant 0 : i32
    %dma_start3A_8 = arith.constant 0 : i32
    %dma_start3A_9 = tpu.memref_slice %arg3[%dma_start3A_6, %dma_start3A_7, %dma_start3A_8] : memref<1000x8x128xf32, #tpu.memory_space<hbm>> -> memref<1000x8x128xf32, #tpu.memory_space<hbm>>
    tpu.enqueue_indirect_dma source(%dma_start3A_9 : memref<1000x8x128xf32, #tpu.memory_space<hbm>>) target(%arg6 : memref<50x8x128xf32, #tpu.memory_space<vmem>>) offsets(%dma_start3A_5 : memref<50xi32, #tpu.memory_space<vmem>>) semaphore(%arg8 : memref<!tpu.dma_semaphore, #tpu.memory_space<semaphore_mem>>)
    %scan3A = arith.constant 0 : i32
    %scan3A_10 = arith.constant 16 : i32
    %scan3A_11 = arith.addi %scan3A, %scan3A_10 : i32
    %scan3A_12 = arith.constant 1 : i32
    scf.for %scan3A_37 = %scan3A to %scan3A_11 step %scan3A_12  : i32 {
      %mul3A_38 = arith.constant 2 : i32
      %mul3A_39 = arith.muli %scan3A_37, %mul3A_38 : i32
      %add3A_40 = arith.constant 0 : i32
      %add3A_41 = arith.addi %add3A_40, %mul3A_39 : i32
      %add3A_42 = arith.constant 0 : i32
      %add3A_43 = arith.addi %add3A_41, %add3A_42 : i32
      %add3A_44 = arith.constant 1 : i32
      %add3A_45 = arith.addi %add3A_43, %add3A_44 : i32
      %mul3A_46 = arith.constant 56 : i32
      %mul3A_47 = arith.muli %add3A_43, %mul3A_46 : i32
      %dma_wait3A_48 = tpu.memref_slice %arg5[%mul3A_47] : memref<1792xi32, #tpu.memory_space<vmem>> -> memref<50xi32, #tpu.memory_space<vmem>>
      %dma_wait3A_49 = arith.constant 0 : i32
      %dma_wait3A_50 = arith.constant 0 : i32
      %dma_wait3A_51 = arith.constant 0 : i32
      %dma_wait3A_52 = tpu.memref_slice %arg3[%dma_wait3A_49, %dma_wait3A_50, %dma_wait3A_51] : memref<1000x8x128xf32, #tpu.memory_space<hbm>> -> memref<1000x8x128xf32, #tpu.memory_space<hbm>>
      tpu.wait_indirect_dma semaphore(%arg8 : memref<!tpu.dma_semaphore, #tpu.memory_space<semaphore_mem>>) src(%dma_wait3A_52 : memref<1000x8x128xf32, #tpu.memory_space<hbm>>) dst(%arg6 : memref<50x8x128xf32, #tpu.memory_space<vmem>>)
      %add3A_53 = arith.addi %mul3A_2, %add3A_43 : i32
      %dma_start3A_54 = arith.constant 0 : i32
      %dma_start3A_55 = arith.constant 0 : i32
      %dma_start3A_56 = arith.constant 0 : i32
      %dma_start3A_57 = tpu.memref_slice %arg4[%add3A_53, %dma_start3A_54, %dma_start3A_55, %dma_start3A_56] : memref<1024x50x8x128xf32, #tpu.memory_space<hbm>> -> memref<1x50x8x128xf32, #tpu.memory_space<hbm>>
      %dma_start3A_58 = tpu.memref_squeeze %dma_start3A_57 : memref<1x50x8x128xf32, #tpu.memory_space<hbm>> -> memref<50x8x128xf32, #tpu.memory_space<hbm>>
      %dma_start3A_59 = arith.constant 0 : i32
      %dma_start3A_60 = arith.constant 0 : i32
      %dma_start3A_61 = arith.constant 0 : i32
      %dma_start3A_62 = tpu.memref_slice %arg4[%add3A_53, %dma_start3A_59, %dma_start3A_60, %dma_start3A_61] : memref<1024x50x8x128xf32, #tpu.memory_space<hbm>> -> memref<1x50x8x128xf32, #tpu.memory_space<hbm>>
      %dma_start3A_63 = tpu.memref_squeeze %dma_start3A_62 : memref<1x50x8x128xf32, #tpu.memory_space<hbm>> -> memref<50x8x128xf32, #tpu.memory_space<hbm>>
      tpu.enqueue_dma source(%arg6 : memref<50x8x128xf32, #tpu.memory_space<vmem>>) target(%dma_start3A_63 : memref<50x8x128xf32, #tpu.memory_space<hbm>>) target_semaphore(%arg10 : memref<!tpu.dma_semaphore, #tpu.memory_space<semaphore_mem>>)
      %lt3A = arith.constant 32 : i32
      %lt3A_64 = arith.cmpi slt, %add3A_45, %lt3A : i32
      %convert_element_type3A = arith.extui %lt3A_64 : i1 to i32
      %cond3A = arith.constant 0 : i32
      %cond3A_65 = arith.cmpi ne, %convert_element_type3A, %cond3A : i32
      scf.if %cond3A_65 {
        %ge3A = arith.constant 2 : i32
        %ge3A_93 = arith.cmpi sge, %add3A_45, %ge3A : i32
        %convert_element_type3A_94 = arith.extui %ge3A_93 : i1 to i32
        %cond3A_95 = arith.constant 0 : i32
        %cond3A_96 = arith.cmpi ne, %convert_element_type3A_94, %cond3A_95 : i32
        scf.if %cond3A_96 {
          %sub3A = arith.constant 2 : i32
          %sub3A_104 = arith.subi %add3A_45, %sub3A : i32
          %add3A_105 = arith.addi %mul3A_2, %sub3A_104 : i32
          %dma_wait3A_106 = arith.constant 0 : i32
          %dma_wait3A_107 = arith.constant 0 : i32
          %dma_wait3A_108 = arith.constant 0 : i32
          %dma_wait3A_109 = tpu.memref_slice %arg4[%add3A_105, %dma_wait3A_106, %dma_wait3A_107, %dma_wait3A_108] : memref<1024x50x8x128xf32, #tpu.memory_space<hbm>> -> memref<1x50x8x128xf32, #tpu.memory_space<hbm>>
          %dma_wait3A_110 = tpu.memref_squeeze %dma_wait3A_109 : memref<1x50x8x128xf32, #tpu.memory_space<hbm>> -> memref<50x8x128xf32, #tpu.memory_space<hbm>>
          %dma_wait3A_111 = arith.constant 0 : i32
          %dma_wait3A_112 = arith.constant 0 : i32
          %dma_wait3A_113 = arith.constant 0 : i32
          %dma_wait3A_114 = tpu.memref_slice %arg4[%add3A_105, %dma_wait3A_111, %dma_wait3A_112, %dma_wait3A_113] : memref<1024x50x8x128xf32, #tpu.memory_space<hbm>> -> memref<1x50x8x128xf32, #tpu.memory_space<hbm>>
          %dma_wait3A_115 = tpu.memref_squeeze %dma_wait3A_114 : memref<1x50x8x128xf32, #tpu.memory_space<hbm>> -> memref<50x8x128xf32, #tpu.memory_space<hbm>>
          tpu.wait_dma2 semaphore(%arg11 : memref<!tpu.dma_semaphore, #tpu.memory_space<semaphore_mem>>) src(%arg7 : memref<50x8x128xf32, #tpu.memory_space<vmem>>) dst(%dma_wait3A_115 : memref<50x8x128xf32, #tpu.memory_space<hbm>>)
        } else {
        }
        %mul3A_97 = arith.constant 56 : i32
        %mul3A_98 = arith.muli %add3A_45, %mul3A_97 : i32
        %dma_start3A_99 = tpu.memref_slice %arg5[%mul3A_98] : memref<1792xi32, #tpu.memory_space<vmem>> -> memref<50xi32, #tpu.memory_space<vmem>>
        %dma_start3A_100 = arith.constant 0 : i32
        %dma_start3A_101 = arith.constant 0 : i32
        %dma_start3A_102 = arith.constant 0 : i32
        %dma_start3A_103 = tpu.memref_slice %arg3[%dma_start3A_100, %dma_start3A_101, %dma_start3A_102] : memref<1000x8x128xf32, #tpu.memory_space<hbm>> -> memref<1000x8x128xf32, #tpu.memory_space<hbm>>
        tpu.enqueue_indirect_dma source(%dma_start3A_103 : memref<1000x8x128xf32, #tpu.memory_space<hbm>>) target(%arg7 : memref<50x8x128xf32, #tpu.memory_space<vmem>>) offsets(%dma_start3A_99 : memref<50xi32, #tpu.memory_space<vmem>>) semaphore(%arg9 : memref<!tpu.dma_semaphore, #tpu.memory_space<semaphore_mem>>)
      } else {
      }
      %add3A_66 = arith.constant 1 : i32
      %add3A_67 = arith.addi %add3A_41, %add3A_66 : i32
      %add3A_68 = arith.constant 1 : i32
      %add3A_69 = arith.addi %add3A_67, %add3A_68 : i32
      %mul3A_70 = arith.constant 56 : i32
      %mul3A_71 = arith.muli %add3A_67, %mul3A_70 : i32
      %dma_wait3A_72 = tpu.memref_slice %arg5[%mul3A_71] : memref<1792xi32, #tpu.memory_space<vmem>> -> memref<50xi32, #tpu.memory_space<vmem>>
      %dma_wait3A_73 = arith.constant 0 : i32
      %dma_wait3A_74 = arith.constant 0 : i32
      %dma_wait3A_75 = arith.constant 0 : i32
      %dma_wait3A_76 = tpu.memref_slice %arg3[%dma_wait3A_73, %dma_wait3A_74, %dma_wait3A_75] : memref<1000x8x128xf32, #tpu.memory_space<hbm>> -> memref<1000x8x128xf32, #tpu.memory_space<hbm>>
      tpu.wait_indirect_dma semaphore(%arg9 : memref<!tpu.dma_semaphore, #tpu.memory_space<semaphore_mem>>) src(%dma_wait3A_76 : memref<1000x8x128xf32, #tpu.memory_space<hbm>>) dst(%arg7 : memref<50x8x128xf32, #tpu.memory_space<vmem>>)
      %add3A_77 = arith.addi %mul3A_2, %add3A_67 : i32
      %dma_start3A_78 = arith.constant 0 : i32
      %dma_start3A_79 = arith.constant 0 : i32
      %dma_start3A_80 = arith.constant 0 : i32
      %dma_start3A_81 = tpu.memref_slice %arg4[%add3A_77, %dma_start3A_78, %dma_start3A_79, %dma_start3A_80] : memref<1024x50x8x128xf32, #tpu.memory_space<hbm>> -> memref<1x50x8x128xf32, #tpu.memory_space<hbm>>
      %dma_start3A_82 = tpu.memref_squeeze %dma_start3A_81 : memref<1x50x8x128xf32, #tpu.memory_space<hbm>> -> memref<50x8x128xf32, #tpu.memory_space<hbm>>
      %dma_start3A_83 = arith.constant 0 : i32
      %dma_start3A_84 = arith.constant 0 : i32
      %dma_start3A_85 = arith.constant 0 : i32
      %dma_start3A_86 = tpu.memref_slice %arg4[%add3A_77, %dma_start3A_83, %dma_start3A_84, %dma_start3A_85] : memref<1024x50x8x128xf32, #tpu.memory_space<hbm>> -> memref<1x50x8x128xf32, #tpu.memory_space<hbm>>
      %dma_start3A_87 = tpu.memref_squeeze %dma_start3A_86 : memref<1x50x8x128xf32, #tpu.memory_space<hbm>> -> memref<50x8x128xf32, #tpu.memory_space<hbm>>
      tpu.enqueue_dma source(%arg7 : memref<50x8x128xf32, #tpu.memory_space<vmem>>) target(%dma_start3A_87 : memref<50x8x128xf32, #tpu.memory_space<hbm>>) target_semaphore(%arg11 : memref<!tpu.dma_semaphore, #tpu.memory_space<semaphore_mem>>)
      %lt3A_88 = arith.constant 32 : i32
      %lt3A_89 = arith.cmpi slt, %add3A_69, %lt3A_88 : i32
      %convert_element_type3A_90 = arith.extui %lt3A_89 : i1 to i32
      %cond3A_91 = arith.constant 0 : i32
      %cond3A_92 = arith.cmpi ne, %convert_element_type3A_90, %cond3A_91 : i32
      scf.if %cond3A_92 {
        %ge3A = arith.constant 2 : i32
        %ge3A_93 = arith.cmpi sge, %add3A_69, %ge3A : i32
        %convert_element_type3A_94 = arith.extui %ge3A_93 : i1 to i32
        %cond3A_95 = arith.constant 0 : i32
        %cond3A_96 = arith.cmpi ne, %convert_element_type3A_94, %cond3A_95 : i32
        scf.if %cond3A_96 {
          %sub3A = arith.constant 2 : i32
          %sub3A_104 = arith.subi %add3A_69, %sub3A : i32
          %add3A_105 = arith.addi %mul3A_2, %sub3A_104 : i32
          %dma_wait3A_106 = arith.constant 0 : i32
          %dma_wait3A_107 = arith.constant 0 : i32
          %dma_wait3A_108 = arith.constant 0 : i32
          %dma_wait3A_109 = tpu.memref_slice %arg4[%add3A_105, %dma_wait3A_106, %dma_wait3A_107, %dma_wait3A_108] : memref<1024x50x8x128xf32, #tpu.memory_space<hbm>> -> memref<1x50x8x128xf32, #tpu.memory_space<hbm>>
          %dma_wait3A_110 = tpu.memref_squeeze %dma_wait3A_109 : memref<1x50x8x128xf32, #tpu.memory_space<hbm>> -> memref<50x8x128xf32, #tpu.memory_space<hbm>>
          %dma_wait3A_111 = arith.constant 0 : i32
          %dma_wait3A_112 = arith.constant 0 : i32
          %dma_wait3A_113 = arith.constant 0 : i32
          %dma_wait3A_114 = tpu.memref_slice %arg4[%add3A_105, %dma_wait3A_111, %dma_wait3A_112, %dma_wait3A_113] : memref<1024x50x8x128xf32, #tpu.memory_space<hbm>> -> memref<1x50x8x128xf32, #tpu.memory_space<hbm>>
          %dma_wait3A_115 = tpu.memref_squeeze %dma_wait3A_114 : memref<1x50x8x128xf32, #tpu.memory_space<hbm>> -> memref<50x8x128xf32, #tpu.memory_space<hbm>>
          tpu.wait_dma2 semaphore(%arg10 : memref<!tpu.dma_semaphore, #tpu.memory_space<semaphore_mem>>) src(%arg6 : memref<50x8x128xf32, #tpu.memory_space<vmem>>) dst(%dma_wait3A_115 : memref<50x8x128xf32, #tpu.memory_space<hbm>>)
        } else {
        }
        %mul3A_97 = arith.constant 56 : i32
        %mul3A_98 = arith.muli %add3A_69, %mul3A_97 : i32
        %dma_start3A_99 = tpu.memref_slice %arg5[%mul3A_98] : memref<1792xi32, #tpu.memory_space<vmem>> -> memref<50xi32, #tpu.memory_space<vmem>>
        %dma_start3A_100 = arith.constant 0 : i32
        %dma_start3A_101 = arith.constant 0 : i32
        %dma_start3A_102 = arith.constant 0 : i32
        %dma_start3A_103 = tpu.memref_slice %arg3[%dma_start3A_100, %dma_start3A_101, %dma_start3A_102] : memref<1000x8x128xf32, #tpu.memory_space<hbm>> -> memref<1000x8x128xf32, #tpu.memory_space<hbm>>
        tpu.enqueue_indirect_dma source(%dma_start3A_103 : memref<1000x8x128xf32, #tpu.memory_space<hbm>>) target(%arg6 : memref<50x8x128xf32, #tpu.memory_space<vmem>>) offsets(%dma_start3A_99 : memref<50xi32, #tpu.memory_space<vmem>>) semaphore(%arg8 : memref<!tpu.dma_semaphore, #tpu.memory_space<semaphore_mem>>)
      } else {
      }
    }
    %scan3A_13 = arith.constant 16 : i32
    %add3A_14 = arith.constant 30 : i32
    %add3A_15 = arith.addi %mul3A_2, %add3A_14 : i32
    %dma_wait3A = arith.constant 0 : i32
    %dma_wait3A_16 = arith.constant 0 : i32
    %dma_wait3A_17 = arith.constant 0 : i32
    %dma_wait3A_18 = tpu.memref_slice %arg4[%add3A_15, %dma_wait3A, %dma_wait3A_16, %dma_wait3A_17] : memref<1024x50x8x128xf32, #tpu.memory_space<hbm>> -> memref<1x50x8x128xf32, #tpu.memory_space<hbm>>
    %dma_wait3A_19 = tpu.memref_squeeze %dma_wait3A_18 : memref<1x50x8x128xf32, #tpu.memory_space<hbm>> -> memref<50x8x128xf32, #tpu.memory_space<hbm>>
    %dma_wait3A_20 = arith.constant 0 : i32
    %dma_wait3A_21 = arith.constant 0 : i32
    %dma_wait3A_22 = arith.constant 0 : i32
    %dma_wait3A_23 = tpu.memref_slice %arg4[%add3A_15, %dma_wait3A_20, %dma_wait3A_21, %dma_wait3A_22] : memref<1024x50x8x128xf32, #tpu.memory_space<hbm>> -> memref<1x50x8x128xf32, #tpu.memory_space<hbm>>
    %dma_wait3A_24 = tpu.memref_squeeze %dma_wait3A_23 : memref<1x50x8x128xf32, #tpu.memory_space<hbm>> -> memref<50x8x128xf32, #tpu.memory_space<hbm>>
    tpu.wait_dma2 semaphore(%arg10 : memref<!tpu.dma_semaphore, #tpu.memory_space<semaphore_mem>>) src(%arg6 : memref<50x8x128xf32, #tpu.memory_space<vmem>>) dst(%dma_wait3A_24 : memref<50x8x128xf32, #tpu.memory_space<hbm>>)
    %add3A_25 = arith.constant 31 : i32
    %add3A_26 = arith.addi %mul3A_2, %add3A_25 : i32
    %dma_wait3A_27 = arith.constant 0 : i32
    %dma_wait3A_28 = arith.constant 0 : i32
    %dma_wait3A_29 = arith.constant 0 : i32
    %dma_wait3A_30 = tpu.memref_slice %arg4[%add3A_26, %dma_wait3A_27, %dma_wait3A_28, %dma_wait3A_29] : memref<1024x50x8x128xf32, #tpu.memory_space<hbm>> -> memref<1x50x8x128xf32, #tpu.memory_space<hbm>>
    %dma_wait3A_31 = tpu.memref_squeeze %dma_wait3A_30 : memref<1x50x8x128xf32, #tpu.memory_space<hbm>> -> memref<50x8x128xf32, #tpu.memory_space<hbm>>
    %dma_wait3A_32 = arith.constant 0 : i32
    %dma_wait3A_33 = arith.constant 0 : i32
    %dma_wait3A_34 = arith.constant 0 : i32
    %dma_wait3A_35 = tpu.memref_slice %arg4[%add3A_26, %dma_wait3A_32, %dma_wait3A_33, %dma_wait3A_34] : memref<1024x50x8x128xf32, #tpu.memory_space<hbm>> -> memref<1x50x8x128xf32, #tpu.memory_space<hbm>>
    %dma_wait3A_36 = tpu.memref_squeeze %dma_wait3A_35 : memref<1x50x8x128xf32, #tpu.memory_space<hbm>> -> memref<50x8x128xf32, #tpu.memory_space<hbm>>
    tpu.wait_dma2 semaphore(%arg11 : memref<!tpu.dma_semaphore, #tpu.memory_space<semaphore_mem>>) src(%arg7 : memref<50x8x128xf32, #tpu.memory_space<vmem>>) dst(%dma_wait3A_36 : memref<50x8x128xf32, #tpu.memory_space<hbm>>)
    return
  }
}

</mosaic_0001>

<sc_bundles>
// kernel: kernel.3.cloned.1.call-start
scs
__scs_entry_jumppad:
0x0: {  	(pc) =	sbr.rel $0x88, $3  }
0x1: {  	(tag) =	ssettag $0x0;
	lr =	simm.s32 $0x1  }
0x2: {  	[smem:$0x3F9F] =	sst lr;
	_ =	strace $0xD0000000  }
0x3: {  	_ = 	snop  }
0x4: {  	_ = 	snop  }
0x5: {  	_ = 	snop  }
0x6: {  	_ = 	snop  }
0x7: {  	_ = 	snop  }
__scs_overlays_trampoline_lowered:
0x8: {  	[smem:$0x3FAE] =	sst s0  }
0x9: {  	[smem:$0x3FAF] =	sst s1  }
0xa: {  	[smem:$0x3FB0] =	sst s2  }
0xb: {  	[smem:$0x3FB1] =	sst s3  }
0xc: {  	[smem:$0x3FB2] =	sst s4  }
0xd: {  	[smem:$0x3FB3] =	sst s5  }
0xe: {  	[smem:$0x3FB4] =	sst s6  }
0xf: {  	[smem:$0x3FB5] =	sst s7  }
0x10: {  	[smem:$0x3FB6] =	sst s8  }
0x11: {  	[smem:$0x3FB7] =	sst s9;
	s0 =	simm.s32 @!p0 $0x0  }
0x12: {  	s1 =	sld [smem:$0x3F9D];
	s0 =	simm.s32 @p0 $0x1  }
0x13: {  	[smem:$0x3FB8] =	sst s0;
	s0 =	simm.s32 @!p1 $0x0  }
0x14: {  	s2 =	sld [smem:$0x3F9C];
	s0 =	simm.s32 @p1 $0x1  }
0x15: {  	[smem:$0x3FB9] =	sst s0;
	s0 =	simm.s32 @!p2 $0x0  }
0x16: {  	s3 =	sld [smem:$0x3FDB];
	s0 =	simm.s32 @p2 $0x1  }
0x17: {  	s4 =	simm.s32 $0x1BF5;
	[smem:$0x3FBB] =	sst s0  }
0x18: {  	s0 =	sld [smem:$0x3F9E];
	_ =	swait.ge [sflag:s4], $0x0  }
0x19: {  	s7 =	sld [smem:$0x3F9F]  }
0x1a: {  	s8 =	sadd.s32 $0xFFFFE003, lr  }
0x1b: {  	s9 =	sadd.s32 $0xFFFFFEF7, lr;
	s5 =	simm.s32 $0xFFFFFFFF;
	p2 =	slt.u32 s8, $0xFFFFF086  }
0x1c: {  	p1 =	slt.u32 s9, $0xF7A;
	s5 =	simm.s32 @!p2 $0x0  }
0x1d: {  	s5 =	simm.s32 @p1 $0x1;
	p0 =	seq.s32 s7, s2  }
0x1e: {  	s7 =	smul.u32 @!p0 $0xF7A, s2;
	p2 =	seq.s32 @!p0 s5, $0x0  }
0x1f: {  	s9 =	smul.u32 $0xF7A, s1;
	s8 =	simm.s32 @!p0 $0x1BF5;
	p2 =	por !p2, p0  }
0x20: {  	[sflag:s8] =	ssyncset.s32 @!p0 $0xFFFFF086;
	s6 =	sadd.s32 @!p0 s3, s7;
	s7 =	simm.s32 @!p0 $0x108  }
0x21: {  	s3 =	sadd.s32 s3, s9;
	s6 =	sadd.s32 @!p0 $0x88, s6;
	s7 =	simm.s32 @p2 $0x1082  }
0x22: {  	[simem:s7], [sflag:s8] =	dma.local @!p0 [hbm:s6], $0xF7A  }
0x23: {  	s9 =	sor.u32 $0xD0000000, s2;
	s6 =	simm.s32 $0x108;
	_ =	swait.ge @!p0 [sflag:s8], $0x0  }
0x24: {  	s3 =	sadd.s32 $0x88, s3;
	s6 =	simm.s32 @!p1 $0x1082;
	[sflag:s4] =	ssyncset.s32 $0xFFFFF086  }
0x25: {  	[simem:s6], [sflag:s4] =	dma.local [hbm:s3], $0xF7A  }
0x26: {  	[smem:$0x3F9F] =	sst s1;
	(tag) =	ssettag s2;
	_ =	strace s9  }
0x27: {  	s1 =	sld [smem:$0x3FAF]  }
0x28: {  	s2 =	sld [smem:$0x3FB0]  }
0x29: {  	s4 =	sld [smem:$0x3FB2]  }
0x2a: {  	p0 =	seq.s32 s5, $0x0;
	s5 =	sld [smem:$0x3FB3]  }
0x2b: {  	s6 =	sld [smem:$0x3FB4]  }
0x2c: {  	s7 =	sld [smem:$0x3FB5]  }
0x2d: {  	s3 =	simm.s32 $0x108;
	s8 =	sld [smem:$0x3FB6]  }
0x2e: {  	s3 =	simm.s32 @!p0 $0x1082;
	s9 =	sld [smem:$0x3FB7]  }
0x2f: {  	lr =	sadd.s32 s0, s3;
	s0 =	sld [smem:$0x3FAE]  }
0x30: {  	s3 =	sld [smem:$0x3FB1]  }
0x31: {  	[smem:$0x3FBA] =	sst s10  }
0x32: {  	s10 =	sld [smem:$0x3FB8];
	_ =	sdelay $0x3  }
0x33: {  	p0 =	seq.s32 s10, $0x1;
	s10 =	sld [smem:$0x3FBA];
	_ =	sdelay $0x3  }
0x34: {  	[smem:$0x3FBA] =	sst s10  }
0x35: {  	s10 =	sld [smem:$0x3FB9];
	_ =	sdelay $0x3  }
0x36: {  	p1 =	seq.s32 s10, $0x1;
	s10 =	sld [smem:$0x3FBA];
	_ =	sdelay $0x3  }
0x37: {  	[smem:$0x3FBA] =	sst s10  }
0x38: {  	s10 =	sld [smem:$0x3FBB]  }
0x39: {  	_ = 	snop;
	(pc) =	sbr.ind lr, $3  }
0x3a: {  	_ = 	snop  }
0x3b: {  	_ = 	snop  }
0x3c: {  	p2 =	seq.s32 s10, $0x1;
	s10 =	sld [smem:$0x3FBA]  }
0x3d: {  	_ =	shalt  }
0x3e: {  	_ =	shalt  }
0x3f: {  	_ =	shalt  }
0x40: {  	_ =	shalt  }
0x41: {  	_ =	shalt  }
0x42: {  	_ =	shalt  }
0x43: {  	_ =	shalt  }
0x44: {  	_ =	shalt  }
0x45: {  	_ =	shalt  }
0x46: {  	_ =	shalt  }
0x47: {  	_ =	shalt  }
0x48: {  	_ =	shalt  }
0x49: {  	_ =	shalt  }
0x4a: {  	_ =	shalt  }
0x4b: {  	_ =	shalt  }
0x4c: {  	_ =	shalt  }
0x4d: {  	_ =	shalt  }
0x4e: {  	_ =	shalt  }
0x4f: {  	_ =	shalt  }
0x50: {  	_ =	shalt  }
0x51: {  	_ =	shalt  }
0x52: {  	_ =	shalt  }
0x53: {  	_ =	shalt  }
0x54: {  	_ =	shalt  }
0x55: {  	_ =	shalt  }
0x56: {  	_ =	shalt  }
0x57: {  	_ =	shalt  }
0x58: {  	_ =	shalt  }
0x59: {  	_ =	shalt  }
0x5a: {  	_ =	shalt  }
0x5b: {  	_ =	shalt  }
0x5c: {  	_ =	shalt  }
0x5d: {  	_ =	shalt  }
0x5e: {  	_ =	shalt  }
0x5f: {  	_ =	shalt  }
0x60: {  	_ =	shalt  }
0x61: {  	_ =	shalt  }
0x62: {  	_ =	shalt  }
0x63: {  	_ =	shalt  }
0x64: {  	_ =	shalt  }
0x65: {  	_ =	shalt  }
0x66: {  	_ =	shalt  }
0x67: {  	_ =	shalt  }
0x68: {  	_ =	shalt  }
0x69: {  	_ =	shalt  }
0x6a: {  	_ =	shalt  }
0x6b: {  	_ =	shalt  }
0x6c: {  	_ =	shalt  }
0x6d: {  	_ =	shalt  }
0x6e: {  	_ =	shalt  }
0x6f: {  	_ =	shalt  }
0x70: {  	_ =	shalt  }
0x71: {  	_ =	shalt  }
0x72: {  	_ =	shalt  }
0x73: {  	_ =	shalt  }
0x74: {  	_ =	shalt  }
0x75: {  	_ =	shalt  }
0x76: {  	_ =	shalt  }
0x77: {  	_ =	shalt  }
0x78: {  	_ =	shalt  }
0x79: {  	_ =	shalt  }
0x7a: {  	_ =	shalt  }
0x7b: {  	_ =	shalt  }
0x7c: {  	_ =	shalt  }
0x7d: {  	_ =	shalt  }
0x7e: {  	_ =	shalt  }
0x7f: {  	_ =	shalt  }
0x80: {  	_ =	shalt  }
0x81: {  	_ =	shalt  }
0x82: {  	_ =	shalt  }
0x83: {  	_ =	shalt  }
0x84: {  	_ =	shalt  }
0x85: {  	_ =	shalt  }
0x86: {  	_ =	shalt  }
0x87: {  	_ =	shalt  }
.Lfunc_end0:
.L_simem_size_0:
called_computation_lowered:
.L_overlay_start_0:
0x88: {  	s2 =	sld [smem:$0x3FD9]  }
0x89: {  	s3 =	sld [smem:$0x3FFE];
	_ =	sdelay $0x1  }
0x8a: {  	s1 =	srdreg.scid  }
0x8b: {  	s0 =	sand.u32 $0x1, s1  }
0x8c: {  	s17 =	sshll.u32 s0, $0xA;
	s2 =	sadd.s32 s3, s2  }
0x8d: {  	s2 =	sadd.s32 s2, s17  }
0x8e: {  	[smem:$0x3FC6] =	sst s2  }
0x8f: {  	_ = 	snop  }
0x90: {  	s2 =	sld [smem:$0x3FD0];
	(tm) =	ssettm $0x1  }
0x91: {  	s18 =	sld [smem:$0x3FFB];
	_ =	sdelay $0x3  }
0x92: {  	_ =	strace s18  }
0x93: {  	s3 =	sld [smem:$0x3FFC];
	_ =	sdelay $0x3  }
0x94: {  	_ =	strace s3  }
0x95: {  	s3 =	sld [smem:$0x3FFD];
	_ =	sdelay $0x3  }
0x96: {  	_ =	strace s3  }
0x97: {  	_ =	strace $0x8FFFFFFF  }
0x98: {  	s19 =	sld [smem:$0x3FDB];
	_ =	sdelay $0x1  }
0x99: {  	s4 =	simm.s32 $_scs_section_size  }
0x9a: {  	s5 =	simm.s32 $_size__tile_overlayer_lowered;
	s6 =	simm.s32 $_tile_overlayer_lowered  }
0x9b: {  	s22 =	simm.s32 $0x1BFF;
	s21 =	sshll.u32 s6, $0x1;
	s3 =	sadd.s32 s4, s19  }
0x9c: {  	s7 =	simm.s32 $0x0;
	s20 =	sshll.u32 s5, $0x1;
	s5 =	sadd.s32 s21, s3  }
0x9d: {  	[timem:s7], [sflag:s22] =	dma.local [hbm:s5], s20  }
0x9e: {  	_ =	swait.ge [sflag:s22], s20  }
0x9f: {  	s4 =	ssub.s32 $0x0, s20;
	[sflag:s22] =	ssyncset.done $0x0  }
0xa0: {  	[sflag:s22] =	ssyncadd.s32 s4;
	_ =	sdelay $0x1  }
0xa1: {  	s23 =	simm.s32 $0x1B8B  }
0xa2: {  	_ =	swait.ge [sflag:s23], $0x1  }
0xa3: {  	[sflag:s23] =	ssyncset.done $0x0  }
0xa4: {  	s25 =	simm.s32 $0x1B8E;
	s24 =	sld [smem:$0x3FFE];
	[sflag:s23] =	ssyncadd.s32 $0xFFFFFFFF  }
0xa5: {  	s26 =	simm.s32 $execute0_lowered;
	[smem:$0x3FD2] =	sst s25  }
0xa6: {  	s5 =	sshll.u32 s26, $0x1;
	_ =	strace $0x80000046;
	[dreg:$0x1] =	wrdreg $0xFFFFFFFF  }
0xa7: {  	s28 =	simm.s32 $_size_execute0_lowered;
	s3 =	sadd.s32 s3, s5;
	[dreg:$0x0] =	wrdreg $0x0  }
0xa8: {  	s5 =	sshll.u32 s28, $0x1;
	[dreg:$0x2] =	wrdreg s3  }
0xa9: {  	[dreg:$0x3] =	wrdreg s5  }
0xaa: {  	[dreg:$0x4] =	wrdreg $0xC0  }
0xab: {  	_ =	task [dreg:s7], $0x5FFFF  }
0xac: {  	[dreg:$0x1] =	wrdreg $0xFFFFFFFF  }
0xad: {  	[dreg:$0x0] =	wrdreg $0x60  }
0xae: {  	[dreg:$0x2] =	wrdreg s24  }
0xaf: {  	[dreg:$0x3] =	wrdreg s2  }
0xb0: {  	[dreg:$0x4] =	wrdreg $0x9  }
0xb1: {  	_ =	task.clear_ibuf [dreg:s7], $0x5FFFF;
	_ =	strace $0x90000046  }
0xb2: {  	s29 =	simm.s32 $0x9;
	_ =	strace $0x80000048  }
0xb3: {  	_ =	swait.ge [sflag:s29], $0x1  }
0xb4: {  	[sflag:s29] =	ssyncadd.s32 $0xFFFFFFFF  }
0xb5: {  	_ =	strace $0x90000048  }
0xb6: {  	_ =	sfence  }
0xb7: {  	s30 =	sld [smem:$0x0];
	_ =	sdelay $0x2  }
0xb8: {  	s31 =	sshll.u32 s1, $0xD;
	s1 =	sshrl.u32 s1, $0x2  }
0xb9: {  	s3 =	sand.u32 $0x4000, s31;
	s1 =	sadd.s32 s1, s30  }
0xba: {  	s0 =	sor.u32 s3, s0;
	s1 =	sshll.u32 s1, $0x11  }
0xbb: {  	s0 =	sor.u32 s1, s0  }
0xbc: {  	s0 =	sadd.s32 $0x8F2B, s0  }
0xbd: {  	[sflag:s0] =	ssyncadd.remote.s32 $0x1  }
0xbe: {  	_ =	sfence.sel $0xFFFF  }
0xbf: {  	[dreg:$0x0] =	wrdreg $0xFFFFFFFF;
	(pc) =	sbr.abs _section_cstart, $3  }
0xc0: {  	[dreg:$0x1] =	wrdreg $0xFFFFFFFF  }
0xc1: {  	_ =	task.clear_ibuf [dreg:s7], $0x2FFFF;
	_ =	strace $0x9FFFFFFF  }
0xc2: {  	(tm) =	ssettm $0x7FFFFFFF  }
0xc3: {  	_ =	shalt  }
tec
execute0_lowered:
.L_overlay_start_1:
0x0: {  	(tag) =	ssettag $0x1  }
0x1: {  	s4 =	rddreg [dreg:$0x0]  }
0x2: {  	s1 =	srdreg.scid;
	s0 =	stileid.u32  }
0x3: {  	s2 =	rddreg [dreg:$0x1];
	s3 =	simm.s32 $0x0;
	s12 =	simm.s32 $0x1  }
0x4: {  	s13 =	simm.s32 $0x38;
	s14 =	simm.s32 $0xCF00;
	s15 =	simm.s32 $0x2  }
0x5: {  	s16 =	simm.s32 $0x3;
	s17 =	simm.s32 $0x70;
	s18 =	simm.s32 $0x4  }
0x6: {  	s19 =	simm.s32 $0x0;
	s5 =	sand.u32 $0x1, s1;
	s1 =	rddreg [dreg:$0x2]  }
0x7: {  	s6 =	sshll.u32 s0, $0x1;
	[smem:$0x7FF] =	sst s3;
	s10 =	smul.u32 $0x64000, s0  }
0x8: {  	s11 =	sadd.s32 $0x2000, s4;
	s6 =	sor.u32 s5, s6;
	s30 =	smul.u32 $0x32000, s5  }
0x9: {  	_ =	strace $0x80000047;
	s8 =	ssub.s32 $0x2, s5;
	s7 =	smul.u32 $0xE0, s6  }
.Ltmp0:
0xa: {  	s9 =	sshrl.u32 s8, $0x1;
	s10 =	sadd.s32 s10, s11;
	(pc) =	sbr.rel .LBB2_1-.Ltmp0, $4  }
0xb: {  	s6 =	smul.u32 $0x32000, s6;
	s8 =	ssub.s32 s8, s9;
	s31 =	sadd.s32 s30, s10  }
0xc: {  	s9 =	simm.s32 $0x5;
	s10 =	simm.s32 $0x32;
	s7 =	sadd.s32 s7, s4  }
0xd: {  	s5 =	sadd.s32 s11, s6;
	s6 =	smax.u32 s8, $0x1;
	s8 =	sadd.s32 $0x3200, s31  }
0xe: {  	s11 =	simm.s32 $0x700;
	s4 =	sadd.s32 $0x400, s7;
	s7 =	sadd.s32 $0x1900, s5  }
.LBB2_4:
0xf: {  	s19 =	sadd.s32 $0x1, s19  }
0x10: {  	p0 =	sne.s32 s19, s6  }
.Ltmp1:
0x11: {  	_ = 	snop;
	(pc) =	sbr.rel @!p0 .LBB2_5-.Ltmp1, $4  }
0x12: {  	_ = 	snop  }
0x13: {  	_ =	swait.ge [sflag:s18], $0xC800  }
0x14: {  	[sflag:s18] =	ssyncset.done $0x0  }
0x15: {  	[sflag:s18] =	ssyncadd.s32 $0xFFFF3800  }
.LBB2_1:
0x16: {  	[tilespmem:s3], [sflag:$0x5] =	stream.linear.gather [hbm4b:s4+s3], $0x700, $0x38;
	[tilespmem:$0x19700] =	vst v63  }
0x17: {  	_ =	swait.ge [sflag:s9], $0x700  }
0x18: {  	[sflag:s9] =	ssyncset.done $0x0  }
0x19: {  	[sflag:s9] =	ssyncadd.s32 $0xFFFFF900  }
0x1a: {  	[tilespmem:s11], [sflag:$0x1] =	stream.indirect.gather [hbm4b:s2+s10], $0x400, s3, s10, $0xb8;
	[tilespmem:$0x19700] =	vst v63  }
0x1b: {  	_ =	swait.ge [sflag:s12], $0xC800  }
0x1c: {  	[sflag:s12] =	ssyncset.done $0x0  }
0x1d: {  	[sflag:s12] =	ssyncadd.s32 $0xFFFF3800  }
0x1e: {  	[hbm4b:s5+s3] =	stream.linear.scatter [tilespmem:s11], [sflag:$0x3], $0xC800, $0x38;
	[tilespmem:$0x19700] =	vst v63  }
0x1f: {  	_ = 	snop  }
0x20: {  	[tilespmem:s14], [sflag:$0x2] =	stream.indirect.gather [hbm4b:s2+s10], $0x400, s13, s10, $0xb8;
	[tilespmem:$0x19700] =	vst v63  }
0x21: {  	_ =	swait.ge [sflag:s15], $0xC800  }
0x22: {  	[sflag:s15] =	ssyncset.done $0x0  }
0x23: {  	[sflag:s15] =	ssyncadd.s32 $0xFFFF3800  }
0x24: {  	[hbm4b:s7+s3] =	stream.linear.scatter [tilespmem:s14], [sflag:$0x4], $0xC800, $0x38;
	[tilespmem:$0x19700] =	vst v63  }
0x25: {  	_ =	swait.ge [sflag:s16], $0xC800  }
0x26: {  	[sflag:s16] =	ssyncset.done $0x0  }
0x27: {  	s20 =	smov.u32 s8;
	s21 =	simm.s32 $0x0;
	[sflag:s16] =	ssyncadd.s32 $0xFFFF3800  }
0x28: {  	[tilespmem:s11], [sflag:$0x1] =	stream.indirect.gather [hbm4b:s2+s10], $0x400, s17, s10, $0xb8;
	[tilespmem:$0x19700] =	vst v63  }
.LBB2_2:
0x29: {  	_ =	swait.ge [sflag:s12], $0xC800  }
0x2a: {  	[sflag:s12] =	ssyncset.done $0x0  }
0x2b: {  	[sflag:s12] =	ssyncadd.s32 $0xFFFF3800  }
0x2c: {  	[hbm4b:s20+s3] =	stream.linear.scatter [tilespmem:s11], [sflag:$0x3], $0xC800, $0x38;
	[tilespmem:$0x19700] =	vst v63  }
0x2d: {  	_ =	swait.ge [sflag:s18], $0xC800  }
0x2e: {  	s22 =	sshra.s32 s21, $0x2;
	[sflag:s18] =	ssyncset.done $0x0  }
0x2f: {  	s23 =	sadd.s32 $0xA8, s22;
	[sflag:s18] =	ssyncadd.s32 $0xFFFF3800  }
0x30: {  	[tilespmem:s14], [sflag:$0x2] =	stream.indirect.gather [hbm4b:s2+s10], $0x400, s23, s10, $0xb8;
	[tilespmem:$0x19700] =	vst v63  }
0x31: {  	_ =	swait.ge [sflag:s15], $0xC800  }
0x32: {  	p0 =	seq.s32 s21, $0x1880;
	[sflag:s15] =	ssyncset.done $0x0  }
.Ltmp2:
0x33: {  	s31 =	sadd.s32 $0x1900, s20;
	[sflag:s15] =	ssyncadd.s32 $0xFFFF3800;
	(pc) =	sbr.rel @p0 .LBB2_4-.Ltmp2, $4  }
0x34: {  	[hbm4b:s31+s3] =	stream.linear.scatter [tilespmem:s14], [sflag:$0x4], $0xC800, $0x38;
	[tilespmem:$0x19700] =	vst v63  }
0x35: {  	_ =	swait.ge [sflag:s16], $0xC800  }
0x36: {  	[sflag:s16] =	ssyncset.done $0x0  }
0x37: {  	[sflag:s16] =	ssyncadd.s32 $0xFFFF3800  }
.Ltmp3:
0x38: {  	(pc) =	sbr.rel .LBB2_2-.Ltmp3, $3  }
0x39: {  	_ =	sdelay $0x1  }
0x3a: {  	s22 =	sadd.s32 $0xE0, s22;
	s21 =	sadd.s32 $0x1C0, s21;
	s20 =	sadd.s32 $0x3200, s20  }
0x3b: {  	[tilespmem:s11], [sflag:$0x1] =	stream.indirect.gather [hbm4b:s2+s10], $0x400, s22, s10, $0xb8;
	[tilespmem:$0x19700] =	vst v63  }
.LBB2_5:
0x3c: {  	_ =	sfence.sel $0x180000  }
0x3d: {  	[bflag:$0x0] =	sbarrier.arrive $0xFFFF  }
0x3e: {  	p0 =	sne.s32 s0, $0x0;
	_ =	strace $0x90000047  }
0x3f: {  	s0 =	sadd.s32 @!p0 $0x100000, s1;
	[bflag:$0x2] =	sbarrier.arrive $0xFFFF  }
0x40: {  	[sflag:s0] =	ssyncadd.tile.s32 @!p0 $0x1;
	_ =	shalt  }
.Lfunc_end2:
_tile_overlayer_lowered:
.L_overlay_start_2:
0x41: {  	(tag) =	ssettag $0x2  }
0x42: {  	s0 =	rddreg [dreg:$0x0];
	s2 =	stileid.u32  }
0x43: {  	s1 =	rddreg [dreg:$0x1];
	p0 =	sne.s32 s2, $0x0  }
0x44: {  	s3 =	rddreg [dreg:$0x2];
	[bflag:$0x3] =	sbarrier.arrive $0xFFFF;
	s2 =	simm.s32 @!p0 $0x1C05  }
0x45: {  	[timem:s3], [sflag:s2] =	dma.local @!p0 [hbm:s0], s1  }
0x46: {  	s0 =	simm.s32 @!p0 $0x5  }
0x47: {  	_ =	swait.ge @!p0 [sflag:s0], s1  }
0x48: {  	s1 =	ssub.s32 @!p0 $0x0, s1;
	[sflag:s0] =	ssyncset.done @!p0 $0x0  }
0x49: {  	[sflag:s0] =	ssyncadd.s32 @!p0 s1  }
0x4a: {  	[bflag:$0x3] =	sbarrier.arrive $0xFFFF  }
0x4b: {  	_ =	shalt  }

</sc_bundles>
